<compile_context>
chip_gen: v7x
topology: tpu7x:2x2x1
jax: 0.10.2.dev20260603
libtpu: 0.0.44.dev20260713+nightly
codegen_flags: <defaults>
</compile_context>

<pallas_src>
import jax
import jax.numpy as jnp
from jax import lax
from jax.experimental import pallas as pl
from jax.experimental.pallas import tpu as pltpu
from jax.experimental.pallas import tpu_sc as plsc

N_NODES = 10000
N_EDGES = 160000
D = 256
DW = D // 2

L = 16
NC = 2
NS = 16
NW = NC * NS
RPW = 320
NPAD = NW * RPW
CE = 800
G = 16
NEG_HUGE = -3e38



def _mm_body(x_ref, wt_ref, wp_ref, y_ref, z_ref, yb_ref):
    xb = x_ref[...]
    dn = (((1,), (1,)), ((), ()))
    y = lax.dot_general(xb, wt_ref[...], dn,
                        preferred_element_type=jnp.float32)
    y_ref[...] = y
    yb_ref[...] = y.astype(jnp.bfloat16)
    z_ref[...] = lax.dot_general(xb, wp_ref[...], dn,
                                 preferred_element_type=jnp.float32)


def _matmuls(x, W_theta, W_phi):
    R = 2000
    grid = (N_NODES // R,)
    return pl.pallas_call(
        _mm_body,
        grid=grid,
        in_specs=[
            pl.BlockSpec((R, D), lambda i: (i, 0)),
            pl.BlockSpec((D, D), lambda i: (0, 0)),
            pl.BlockSpec((D, D), lambda i: (0, 0)),
        ],
        out_specs=[
            pl.BlockSpec((R, D), lambda i: (i, 0)),
            pl.BlockSpec((R, D), lambda i: (i, 0)),
            pl.BlockSpec((R, D), lambda i: (i, 0)),
        ],
        out_shape=[
            jax.ShapeDtypeStruct((N_NODES, D), jnp.float32),
            jax.ShapeDtypeStruct((N_NODES, D), jnp.float32),
            jax.ShapeDtypeStruct((N_NODES, D), jnp.bfloat16),
        ],
    )(x, W_theta, W_phi)



def _comb_body(y_ref, z_ref, ag_ref, o_ref):
    af = ag_ref[...].astype(jnp.float32)
    o_ref[...] = z_ref[...] + jnp.where(af > NEG_HUGE, af - y_ref[...], 0.0)


def _combine(y, z, ag):
    R = 2000
    grid = (N_NODES // R,)
    return pl.pallas_call(
        _comb_body,
        grid=grid,
        in_specs=[
            pl.BlockSpec((R, D), lambda i: (i, 0)),
            pl.BlockSpec((R, D), lambda i: (i, 0)),
            pl.BlockSpec((R, D), lambda i: (i, 0)),
        ],
        out_specs=pl.BlockSpec((R, D), lambda i: (i, 0)),
        out_shape=jax.ShapeDtypeStruct((N_NODES, D), jnp.float32),
    )(y, z, ag)



def _sc_body(y32_hbm, row_hbm, col_hbm, aggr_hbm,
             ytab, acc0, acc1, colbuf0, rowbuf0, colbuf1, rowbuf1,
             dlist, ilist, staged0, staged1,
             sem_c0, sem_c1, sem_g0, sem_g1):
    c = lax.axis_index("c")
    s = lax.axis_index("s")
    wid = s * NC + c
    lo = wid * RPW

    NCH = N_EDGES // CE
    SROWS = 624

    @pl.when(s < NS - 1)
    def _():
        st = pl.multiple_of(s * SROWS, 8)
        pltpu.sync_copy(y32_hbm.at[pl.ds(st, SROWS)],
                        ytab.at[pl.ds(st, SROWS)])

    @pl.when(s == NS - 1)
    def _():
        st = pl.multiple_of((NS - 1) * SROWS, 8)
        pltpu.sync_copy(y32_hbm.at[pl.ds(st, N_NODES - (NS - 1) * SROWS)],
                        ytab.at[pl.ds(st, N_NODES - (NS - 1) * SROWS)])

    ninf = jnp.full((L,), -8323200, jnp.int32)
    HW = DW // 2

    def init_body(i, _):
        acc0[pl.ds(i * L, L)] = ninf
        acc1[pl.ds(i * L, L)] = ninf
        return 0
    lax.fori_loop(0, (RPW + 1) * HW // L, init_body, 0)

    plsc.subcore_barrier()

    def _fire_chunk(ci, cb, rb, sem):
        e0 = pl.multiple_of(ci * CE, CE)
        pltpu.async_copy(col_hbm.at[pl.ds(e0, CE)], cb, sem)
        pltpu.async_copy(row_hbm.at[pl.ds(e0, CE)], rb, sem)

    def _drain_chunk(cb, rb, sem):
        pltpu.make_async_copy(col_hbm.at[pl.ds(0, CE)], cb, sem).wait()
        pltpu.make_async_copy(row_hbm.at[pl.ds(0, CE)], rb, sem).wait()

    def _fire_batch(b, buf, sem):
        idx_sl = ilist.at[pl.ds(pl.multiple_of(b * G, G), G)]
        pltpu.async_copy(ytab.at[idx_sl], buf, sem)

    def _drain_batch(buf, sem):
        pltpu.make_async_copy(ytab.at[pl.ds(0, G)], buf, sem).wait()

    def _compute_batch(b, buf):
        base_e = pl.multiple_of(b * G, G)
        dv = dlist[pl.ds(base_e, L)]
        for j in range(L):
            dj = dv[j]
            for a_ref, h in ((acc0, 0), (acc1, 1)):
                avs = []
                svs = []
                for k in range(4):
                    a = a_ref[pl.ds(dj * HW + k * L, L)]
                    avs.append(plsc.bitcast(a, jnp.bfloat16))
                for k in range(4):
                    v = 4 * h + k
                    w = buf[j, pl.ds(pl.multiple_of(v * L, L), L)]
                    svs.append(plsc.bitcast(w, jnp.bfloat16))
                for k in range(4):
                    a_ref[pl.ds(dj * HW + k * L, L)] = plsc.bitcast(
                        jnp.maximum(avs[k], svs[k]), jnp.int32)

    def _process_chunk(cb, rb):
        def scan_body(g, off):
            cv0 = cb[pl.ds(g * 2 * L, L)]
            rv0 = rb[pl.ds(g * 2 * L, L)]
            cv1 = cb[pl.ds(g * 2 * L + L, L)]
            rv1 = rb[pl.ds(g * 2 * L + L, L)]
            m0 = (cv0 >= lo) & (cv0 < lo + RPW)
            m1 = (cv1 >= lo) & (cv1 < lo + RPW)
            cs0 = plsc.cumsum(m0.astype(jnp.int32))
            cs1 = plsc.cumsum(m1.astype(jnp.int32))
            k0 = cs0[L - 1]
            pos0 = off + cs0 - 1
            pos1 = off + k0 + cs1 - 1
            plsc.store_scatter(dlist, [pos0], cv0 - lo, mask=m0)
            plsc.store_scatter(ilist, [pos0], rv0, mask=m0)
            plsc.store_scatter(dlist, [pos1], cv1 - lo, mask=m1)
            plsc.store_scatter(ilist, [pos1], rv1, mask=m1)
            return off + k0 + cs1[L - 1]
        off = 0

        trash = jnp.full((L,), RPW, jnp.int32)
        zero = jnp.zeros((L,), jnp.int32)
        dlist[pl.ds(off, L)] = trash
        dlist[pl.ds(off + L, L)] = trash
        ilist[pl.ds(off, L)] = zero
        ilist[pl.ds(off + L, L)] = zero

        nb = (off + G - 1) // G

        @pl.when(nb > 0)
        def _():
            _fire_batch(0, staged0, sem_g0)

            def bpair(bp, _):
                b0 = bp * 2
                b1 = b0 + 1

                @pl.when(b1 < nb)
                def _():
                    _fire_batch(b1, staged1, sem_g1)
                _drain_batch(staged0, sem_g0)
                _compute_batch(b0, staged0)

                @pl.when(b0 + 2 < nb)
                def _():
                    _fire_batch(b0 + 2, staged0, sem_g0)

                @pl.when(b1 < nb)
                def _():
                    _drain_batch(staged1, sem_g1)
                    _compute_batch(b1, staged1)
                return 0
            lax.fori_loop(0, (nb + 1) // 2, bpair, 0)

    _fire_chunk(0, colbuf0, rowbuf0, sem_c0)

    def chunk_pair(cp, _):
        c0 = cp * 2
        c1 = c0 + 1
        _fire_chunk(c1, colbuf1, rowbuf1, sem_c1)
        _drain_chunk(colbuf0, rowbuf0, sem_c0)
        _process_chunk(colbuf0, rowbuf0)

        @pl.when(c0 + 2 < NCH)
        def _():
            _fire_chunk(c0 + 2, colbuf0, rowbuf0, sem_c0)
        _drain_chunk(colbuf1, rowbuf1, sem_c1)
        _process_chunk(colbuf1, rowbuf1)
        return 0
    lax.fori_loop(0, NCH // 2, chunk_pair, 0)

    pltpu.sync_copy(acc0.at[pl.ds(0, RPW * HW)],
                    aggr_hbm.at[pl.ds(lo * HW, RPW * HW)])
    pltpu.sync_copy(acc1.at[pl.ds(0, RPW * HW)],
                    aggr_hbm.at[pl.ds((NPAD + lo) * HW, RPW * HW)])


def _sc_segmax(y32, row, col):
    mesh = plsc.VectorSubcoreMesh(core_axis_name="c", subcore_axis_name="s",
                                  num_cores=NC, num_subcores=NS)
    f = pl.kernel(
        _sc_body,
        out_type=jax.ShapeDtypeStruct((NPAD * DW,), jnp.int32),
        mesh=mesh,
        compiler_params=pltpu.CompilerParams(needs_layout_passes=False),
        scratch_types=[
            pltpu.VMEM_SHARED((N_NODES, DW), jnp.int32),
            pltpu.VMEM(((RPW + 1) * DW // 2,), jnp.int32),
            pltpu.VMEM(((RPW + 1) * DW // 2,), jnp.int32),
            pltpu.VMEM((CE,), jnp.int32),
            pltpu.VMEM((CE,), jnp.int32),
            pltpu.VMEM((CE,), jnp.int32),
            pltpu.VMEM((CE,), jnp.int32),
            pltpu.VMEM((CE + 2 * G,), jnp.int32),
            pltpu.VMEM((CE + 2 * G,), jnp.int32),
            pltpu.VMEM((G, DW), jnp.int32),
            pltpu.VMEM((G, DW), jnp.int32),
            pltpu.SemaphoreType.DMA,
            pltpu.SemaphoreType.DMA,
            pltpu.SemaphoreType.DMA,
            pltpu.SemaphoreType.DMA,
        ],
    )
    return f(y32, row, col)


def kernel(x, edge_index, W_theta, W_phi):
    row = edge_index[0]
    col = edge_index[1]
    y, z, yb = _matmuls(x, W_theta, W_phi)
    y32 = lax.bitcast_convert_type(yb.reshape(N_NODES, DW, 2), jnp.int32)
    aggr = _sc_segmax(y32, row, col)
    ag2 = lax.bitcast_convert_type(aggr.reshape(2, NPAD, DW // 2),
                                   jnp.bfloat16)
    ag = jnp.concatenate([ag2[0].reshape(NPAD, D // 2),
                          ag2[1].reshape(NPAD, D // 2)], axis=1)
    return _combine(y, z, ag)

# --- scband reference (transcript-rebuilt; emitter-appended) ---
"""Pipeline reference for scband-dev-conv-56719338111194 (READ-ONLY COPY).

The authoritative reference and input builder live on the scoring server;
editing this copy changes nothing except your own understanding.
"""

import jax, jax.numpy as jnp
import numpy as np

N_NODES = 10000
N_EDGES = 160000
D = 256

def setup_inputs(seed: int = 0) -> dict:
    key = jax.random.key(seed)
    k1, k2, k3, k4 = jax.random.split(key, 4)
    x = jax.random.normal(k1, (N_NODES, D), dtype=jnp.float32)
    edge_index = jax.random.randint(k2, (2, N_EDGES), 0, N_NODES, dtype=jnp.int32)
    # nn.Linear(in, out, bias=False) weight has shape (out, in)
    W_theta = jax.random.normal(k3, (D, D), dtype=jnp.float32) * (1.0 / np.sqrt(D))
    W_phi = jax.random.normal(k4, (D, D), dtype=jnp.float32) * (1.0 / np.sqrt(D))
    return {"x": x, "edge_index": edge_index, "W_theta": W_theta, "W_phi": W_phi}

def reference(x, edge_index, W_theta, W_phi):
    row, col = edge_index[0], edge_index[1]
    x_i = jnp.take(x, row, axis=0)
    x_j = jnp.take(x, col, axis=0)
    rel_pos = x_i - x_j
    rel_pos_transformed = rel_pos @ W_theta.T
    x_transformed = x @ W_phi.T
    aggr_out = jax.ops.segment_max(rel_pos_transformed, col, num_segments=x.shape[0])
    # torch_scatter.scatter_max leaves empty segments at 0; segment_max gives -inf
    aggr_out = jnp.where(jnp.isfinite(aggr_out), aggr_out, 0.0)
    return x_transformed + aggr_out

if __name__ == "__main__":
    import jax
    _d = setup_inputs()
    print(jax.jit(kernel)(*tuple(_d.values())))

</pallas_src>

<mosaic_0001>
#map = affine_map<(d0, d1) -> (0, 0)>
#map1 = affine_map<(d0, d1) -> (0)>
module attributes {stable_mosaic.version = 14 : i64} {
  func.func @_sc_body(%arg0: i32, %arg1: i32, %arg2: memref<10000x128xi32, #tpu.memory_space<hbm>>, %arg3: memref<160000xi32, #tpu.memory_space<hbm>>, %arg4: memref<160000xi32, #tpu.memory_space<hbm>>, %arg5: memref<1310720xi32, #tpu.memory_space<hbm>>, %arg6: memref<10000x128xi32, #tpu.memory_space<vmem_shared>>, %arg7: memref<20544xi32, #tpu.memory_space<vmem>>, %arg8: memref<20544xi32, #tpu.memory_space<vmem>>, %arg9: memref<800xi32, #tpu.memory_space<vmem>>, %arg10: memref<800xi32, #tpu.memory_space<vmem>>, %arg11: memref<800xi32, #tpu.memory_space<vmem>>, %arg12: memref<800xi32, #tpu.memory_space<vmem>>, %arg13: memref<832xi32, #tpu.memory_space<vmem>>, %arg14: memref<832xi32, #tpu.memory_space<vmem>>, %arg15: memref<16x128xi32, #tpu.memory_space<vmem>>, %arg16: memref<16x128xi32, #tpu.memory_space<vmem>>, %arg17: memref<!tpu.dma_semaphore, #tpu.memory_space<semaphore_mem>>, %arg18: memref<!tpu.dma_semaphore, #tpu.memory_space<semaphore_mem>>, %arg19: memref<!tpu.dma_semaphore, #tpu.memory_space<semaphore_mem>>, %arg20: memref<!tpu.dma_semaphore, #tpu.memory_space<semaphore_mem>>) attributes {dimension_semantics = [#tpu.dimension_semantics<core_parallel>, #tpu.dimension_semantics<subcore_parallel>], iteration_bounds = array<i64: 2, 16>, scalar_prefetch = 0 : i64, scratch_operands = 15 : i64, tpu.core_type = #tpu.core_type<sc_vector_subcore>, window_params = [{transform_indices = #map}, {transform_indices = #map1}, {transform_indices = #map1}, {transform_indices = #map1}]} {
    %mul3A = arith.constant 2 : i32
    %mul3A_0 = arith.muli %arg1, %mul3A : i32
    %add3A = arith.addi %mul3A_0, %arg0 : i32
    %mul3A_1 = arith.constant 320 : i32
    %mul3A_2 = arith.muli %add3A, %mul3A_1 : i32
    %lt3A = arith.constant 15 : i32
    %lt3A_3 = arith.cmpi slt, %arg1, %lt3A : i32
    %convert_element_type3A = arith.extui %lt3A_3 : i1 to i32
    %cond3A = arith.constant 0 : i32
    %cond3A_4 = arith.cmpi ne, %convert_element_type3A, %cond3A : i32
    scf.if %cond3A_4 {
      %mul3A_33 = arith.constant 624 : i32
      %mul3A_34 = arith.muli %arg1, %mul3A_33 : i32
      %multiple_of3A_35 = tpu.assume_multiple %mul3A_34, 8 : i32
      "tpu.region"() ({
        %run_scoped3A = tpu.sem_alloc : memref<!tpu.dma_semaphore, #tpu.memory_space<semaphore_mem>>
        %dma_start3A_36 = arith.constant 0 : i32
        %dma_start3A_37 = tpu.memref_slice %arg6[%multiple_of3A_35, %dma_start3A_36] : memref<10000x128xi32, #tpu.memory_space<vmem_shared>> -> memref<624x128xi32, #tpu.memory_space<vmem_shared>>
        %dma_start3A_38 = arith.constant 0 : i32
        %dma_start3A_39 = tpu.memref_slice %arg2[%multiple_of3A_35, %dma_start3A_38] : memref<10000x128xi32, #tpu.memory_space<hbm>> -> memref<624x128xi32, #tpu.memory_space<hbm>>
        tpu.enqueue_dma source(%dma_start3A_39 : memref<624x128xi32, #tpu.memory_space<hbm>>) target(%dma_start3A_37 : memref<624x128xi32, #tpu.memory_space<vmem_shared>>) target_semaphore(%run_scoped3A : memref<!tpu.dma_semaphore, #tpu.memory_space<semaphore_mem>>)
        %dma_wait3A = arith.constant 0 : i32
        %dma_wait3A_40 = tpu.memref_slice %arg6[%multiple_of3A_35, %dma_wait3A] : memref<10000x128xi32, #tpu.memory_space<vmem_shared>> -> memref<624x128xi32, #tpu.memory_space<vmem_shared>>
        %dma_wait3A_41 = arith.constant 0 : i32
        %dma_wait3A_42 = tpu.memref_slice %arg2[%multiple_of3A_35, %dma_wait3A_41] : memref<10000x128xi32, #tpu.memory_space<hbm>> -> memref<624x128xi32, #tpu.memory_space<hbm>>
        tpu.wait_dma2 semaphore(%run_scoped3A : memref<!tpu.dma_semaphore, #tpu.memory_space<semaphore_mem>>) src(%dma_wait3A_42 : memref<624x128xi32, #tpu.memory_space<hbm>>) dst(%dma_wait3A_40 : memref<624x128xi32, #tpu.memory_space<vmem_shared>>)
        tpu.yield
      }) : () -> ()
    } else {
    }
    %eq3A = arith.constant 15 : i32
    %eq3A_5 = arith.cmpi eq, %arg1, %eq3A : i32
    %convert_element_type3A_6 = arith.extui %eq3A_5 : i1 to i32
    %cond3A_7 = arith.constant 0 : i32
    %cond3A_8 = arith.cmpi ne, %convert_element_type3A_6, %cond3A_7 : i32
    scf.if %cond3A_8 {
      %multiple_of3A_33 = arith.constant 9360 : i32
      %multiple_of3A_34 = tpu.assume_multiple %multiple_of3A_33, 8 : i32
      "tpu.region"() ({
        %run_scoped3A = tpu.sem_alloc : memref<!tpu.dma_semaphore, #tpu.memory_space<semaphore_mem>>
        %dma_start3A_35 = arith.constant 0 : i32
        %dma_start3A_36 = tpu.memref_slice %arg6[%multiple_of3A_34, %dma_start3A_35] : memref<10000x128xi32, #tpu.memory_space<vmem_shared>> -> memref<640x128xi32, #tpu.memory_space<vmem_shared>>
        %dma_start3A_37 = arith.constant 0 : i32
        %dma_start3A_38 = tpu.memref_slice %arg2[%multiple_of3A_34, %dma_start3A_37] : memref<10000x128xi32, #tpu.memory_space<hbm>> -> memref<640x128xi32, #tpu.memory_space<hbm>>
        tpu.enqueue_dma source(%dma_start3A_38 : memref<640x128xi32, #tpu.memory_space<hbm>>) target(%dma_start3A_36 : memref<640x128xi32, #tpu.memory_space<vmem_shared>>) target_semaphore(%run_scoped3A : memref<!tpu.dma_semaphore, #tpu.memory_space<semaphore_mem>>)
        %dma_wait3A = arith.constant 0 : i32
        %dma_wait3A_39 = tpu.memref_slice %arg6[%multiple_of3A_34, %dma_wait3A] : memref<10000x128xi32, #tpu.memory_space<vmem_shared>> -> memref<640x128xi32, #tpu.memory_space<vmem_shared>>
        %dma_wait3A_40 = arith.constant 0 : i32
        %dma_wait3A_41 = tpu.memref_slice %arg2[%multiple_of3A_34, %dma_wait3A_40] : memref<10000x128xi32, #tpu.memory_space<hbm>> -> memref<640x128xi32, #tpu.memory_space<hbm>>
        tpu.wait_dma2 semaphore(%run_scoped3A : memref<!tpu.dma_semaphore, #tpu.memory_space<semaphore_mem>>) src(%dma_wait3A_41 : memref<640x128xi32, #tpu.memory_space<hbm>>) dst(%dma_wait3A_39 : memref<640x128xi32, #tpu.memory_space<vmem_shared>>)
        tpu.yield
      }) : () -> ()
    } else {
    }
    %broadcast_in_dim3A = arith.constant -8323200 : i32
    %broadcast_in_dim3A_9 = vector.broadcast %broadcast_in_dim3A : i32 to vector<16xi32>
    %scan3A = arith.constant 0 : i32
    %scan3A_10 = arith.constant 0 : i32
    %scan3A_11 = arith.constant 1284 : i32
    %scan3A_12 = arith.addi %scan3A_10, %scan3A_11 : i32
    %scan3A_13 = arith.constant 1 : i32
    %scan3A_14 = scf.for %scan3A_33 = %scan3A_10 to %scan3A_12 step %scan3A_13 iter_args(%scan3A_34 = %scan3A) -> (i32)  : i32 {
      %mul3A_35 = arith.constant 16 : i32
      %mul3A_36 = arith.muli %scan3A_33, %mul3A_35 : i32
      %swap3A = arith.index_cast %mul3A_36 : i32 to index
      %swap3A_37 = tpu.vector_load %arg7[%swap3A] {strides = array<i32>} : memref<20544xi32, #tpu.memory_space<vmem>>, vector<16xi32>,
      tpu.vector_store %arg7[%swap3A], %broadcast_in_dim3A_9 {strides = array<i32>} : memref<20544xi32, #tpu.memory_space<vmem>>, vector<16xi32>,
      %mul3A_38 = arith.constant 16 : i32
      %mul3A_39 = arith.muli %scan3A_33, %mul3A_38 : i32
      %swap3A_40 = arith.index_cast %mul3A_39 : i32 to index
      %swap3A_41 = tpu.vector_load %arg8[%swap3A_40] {strides = array<i32>} : memref<20544xi32, #tpu.memory_space<vmem>>, vector<16xi32>,
      tpu.vector_store %arg8[%swap3A_40], %broadcast_in_dim3A_9 {strides = array<i32>} : memref<20544xi32, #tpu.memory_space<vmem>>, vector<16xi32>,
      %scan3A_42 = arith.constant 0 : i32
      scf.yield %scan3A_42 : i32
    }
    %scan3A_15 = arith.constant 1284 : i32
    %barrier3A = arith.constant 0 : index
    tpu.barrier barrier_id(%barrier3A)
    %multiple_of3A = arith.constant 0 : i32
    %multiple_of3A_16 = tpu.assume_multiple %multiple_of3A, 800 : i32
    %dma_start3A = tpu.memref_slice %arg4[%multiple_of3A_16] : memref<160000xi32, #tpu.memory_space<hbm>> -> memref<800xi32, #tpu.memory_space<hbm>>
    %dma_start3A_17 = tpu.memref_slice %arg4[%multiple_of3A_16] : memref<160000xi32, #tpu.memory_space<hbm>> -> memref<800xi32, #tpu.memory_space<hbm>>
    tpu.enqueue_dma source(%dma_start3A_17 : memref<800xi32, #tpu.memory_space<hbm>>) target(%arg9 : memref<800xi32, #tpu.memory_space<vmem>>) target_semaphore(%arg17 : memref<!tpu.dma_semaphore, #tpu.memory_space<semaphore_mem>>)
    %dma_start3A_18 = tpu.memref_slice %arg3[%multiple_of3A_16] : memref<160000xi32, #tpu.memory_space<hbm>> -> memref<800xi32, #tpu.memory_space<hbm>>
    %dma_start3A_19 = tpu.memref_slice %arg3[%multiple_of3A_16] : memref<160000xi32, #tpu.memory_space<hbm>> -> memref<800xi32, #tpu.memory_space<hbm>>
    tpu.enqueue_dma source(%dma_start3A_19 : memref<800xi32, #tpu.memory_space<hbm>>) target(%arg10 : memref<800xi32, #tpu.memory_space<vmem>>) target_semaphore(%arg17 : memref<!tpu.dma_semaphore, #tpu.memory_space<semaphore_mem>>)
    %scan3A_20 = arith.constant 0 : i32
    %scan3A_21 = arith.constant 0 : i32
    %scan3A_22 = arith.constant 100 : i32
    %scan3A_23 = arith.addi %scan3A_21, %scan3A_22 : i32
    %scan3A_24 = arith.constant 1 : i32
    %scan3A_25 = scf.for %scan3A_33 = %scan3A_21 to %scan3A_23 step %scan3A_24 iter_args(%scan3A_34 = %scan3A_20) -> (i32)  : i32 {
      %mul3A_35 = arith.constant 2 : i32
      %mul3A_36 = arith.muli %scan3A_33, %mul3A_35 : i32
      %add3A_37 = arith.constant 1 : i32
      %add3A_38 = arith.addi %mul3A_36, %add3A_37 : i32
      %mul3A_39 = arith.constant 800 : i32
      %mul3A_40 = arith.muli %add3A_38, %mul3A_39 : i32
      %multiple_of3A_41 = tpu.assume_multiple %mul3A_40, 800 : i32
      %dma_start3A_42 = tpu.memref_slice %arg4[%multiple_of3A_41] : memref<160000xi32, #tpu.memory_space<hbm>> -> memref<800xi32, #tpu.memory_space<hbm>>
      %dma_start3A_43 = tpu.memref_slice %arg4[%multiple_of3A_41] : memref<160000xi32, #tpu.memory_space<hbm>> -> memref<800xi32, #tpu.memory_space<hbm>>
      tpu.enqueue_dma source(%dma_start3A_43 : memref<800xi32, #tpu.memory_space<hbm>>) target(%arg11 : memref<800xi32, #tpu.memory_space<vmem>>) target_semaphore(%arg18 : memref<!tpu.dma_semaphore, #tpu.memory_space<semaphore_mem>>)
      %dma_start3A_44 = tpu.memref_slice %arg3[%multiple_of3A_41] : memref<160000xi32, #tpu.memory_space<hbm>> -> memref<800xi32, #tpu.memory_space<hbm>>
      %dma_start3A_45 = tpu.memref_slice %arg3[%multiple_of3A_41] : memref<160000xi32, #tpu.memory_space<hbm>> -> memref<800xi32, #tpu.memory_space<hbm>>
      tpu.enqueue_dma source(%dma_start3A_45 : memref<800xi32, #tpu.memory_space<hbm>>) target(%arg12 : memref<800xi32, #tpu.memory_space<vmem>>) target_semaphore(%arg18 : memref<!tpu.dma_semaphore, #tpu.memory_space<semaphore_mem>>)
      %dma_wait3A = arith.constant 0 : i32
      %dma_wait3A_46 = tpu.memref_slice %arg4[%dma_wait3A] : memref<160000xi32, #tpu.memory_space<hbm>> -> memref<800xi32, #tpu.memory_space<hbm>>
      %dma_wait3A_47 = arith.constant 0 : i32
      %dma_wait3A_48 = tpu.memref_slice %arg4[%dma_wait3A_47] : memref<160000xi32, #tpu.memory_space<hbm>> -> memref<800xi32, #tpu.memory_space<hbm>>
      tpu.wait_dma2 semaphore(%arg17 : memref<!tpu.dma_semaphore, #tpu.memory_space<semaphore_mem>>) src(%dma_wait3A_48 : memref<800xi32, #tpu.memory_space<hbm>>) dst(%arg9 : memref<800xi32, #tpu.memory_space<vmem>>)
      %dma_wait3A_49 = arith.constant 0 : i32
      %dma_wait3A_50 = tpu.memref_slice %arg3[%dma_wait3A_49] : memref<160000xi32, #tpu.memory_space<hbm>> -> memref<800xi32, #tpu.memory_space<hbm>>
      %dma_wait3A_51 = arith.constant 0 : i32
      %dma_wait3A_52 = tpu.memref_slice %arg3[%dma_wait3A_51] : memref<160000xi32, #tpu.memory_space<hbm>> -> memref<800xi32, #tpu.memory_space<hbm>>
      tpu.wait_dma2 semaphore(%arg17 : memref<!tpu.dma_semaphore, #tpu.memory_space<semaphore_mem>>) src(%dma_wait3A_52 : memref<800xi32, #tpu.memory_space<hbm>>) dst(%arg10 : memref<800xi32, #tpu.memory_space<vmem>>)
      %broadcast_in_dim3A_53 = arith.constant 320 : i32
      %broadcast_in_dim3A_54 = vector.broadcast %broadcast_in_dim3A_53 : i32 to vector<16xi32>
      %broadcast_in_dim3A_55 = arith.constant 0 : i32
      %broadcast_in_dim3A_56 = vector.broadcast %broadcast_in_dim3A_55 : i32 to vector<16xi32>
      %swap3A = arith.constant 0 : index
      %swap3A_57 = tpu.vector_load %arg13[%swap3A] {strides = array<i32>} : memref<832xi32, #tpu.memory_space<vmem>>, vector<16xi32>,
      tpu.vector_store %arg13[%swap3A], %broadcast_in_dim3A_54 {strides = array<i32>} : memref<832xi32, #tpu.memory_space<vmem>>, vector<16xi32>,
      %swap3A_58 = arith.constant 16 : index
      %swap3A_59 = tpu.vector_load %arg13[%swap3A_58] {strides = array<i32>} : memref<832xi32, #tpu.memory_space<vmem>>, vector<16xi32>,
      tpu.vector_store %arg13[%swap3A_58], %broadcast_in_dim3A_54 {strides = array<i32>} : memref<832xi32, #tpu.memory_space<vmem>>, vector<16xi32>,
      %swap3A_60 = arith.constant 0 : index
      %swap3A_61 = tpu.vector_load %arg14[%swap3A_60] {strides = array<i32>} : memref<832xi32, #tpu.memory_space<vmem>>, vector<16xi32>,
      tpu.vector_store %arg14[%swap3A_60], %broadcast_in_dim3A_56 {strides = array<i32>} : memref<832xi32, #tpu.memory_space<vmem>>, vector<16xi32>,
      %swap3A_62 = arith.constant 16 : index
      %swap3A_63 = tpu.vector_load %arg14[%swap3A_62] {strides = array<i32>} : memref<832xi32, #tpu.memory_space<vmem>>, vector<16xi32>,
      tpu.vector_store %arg14[%swap3A_62], %broadcast_in_dim3A_56 {strides = array<i32>} : memref<832xi32, #tpu.memory_space<vmem>>, vector<16xi32>,
      %add3A_64 = arith.constant 2 : i32
      %add3A_65 = arith.addi %mul3A_36, %add3A_64 : i32
      %lt3A_66 = arith.constant 200 : i32
      %lt3A_67 = arith.cmpi slt, %add3A_65, %lt3A_66 : i32
      %convert_element_type3A_68 = arith.extui %lt3A_67 : i1 to i32
      %cond3A_69 = arith.constant 0 : i32
      %cond3A_70 = arith.cmpi ne, %convert_element_type3A_68, %cond3A_69 : i32
      scf.if %cond3A_70 {
        %add3A_92 = arith.constant 2 : i32
        %add3A_93 = arith.addi %mul3A_36, %add3A_92 : i32
        %mul3A_94 = arith.constant 800 : i32
        %mul3A_95 = arith.muli %add3A_93, %mul3A_94 : i32
        %multiple_of3A_96 = tpu.assume_multiple %mul3A_95, 800 : i32
        %dma_start3A_97 = tpu.memref_slice %arg4[%multiple_of3A_96] : memref<160000xi32, #tpu.memory_space<hbm>> -> memref<800xi32, #tpu.memory_space<hbm>>
        %dma_start3A_98 = tpu.memref_slice %arg4[%multiple_of3A_96] : memref<160000xi32, #tpu.memory_space<hbm>> -> memref<800xi32, #tpu.memory_space<hbm>>
        tpu.enqueue_dma source(%dma_start3A_98 : memref<800xi32, #tpu.memory_space<hbm>>) target(%arg9 : memref<800xi32, #tpu.memory_space<vmem>>) target_semaphore(%arg17 : memref<!tpu.dma_semaphore, #tpu.memory_space<semaphore_mem>>)
        %dma_start3A_99 = tpu.memref_slice %arg3[%multiple_of3A_96] : memref<160000xi32, #tpu.memory_space<hbm>> -> memref<800xi32, #tpu.memory_space<hbm>>
        %dma_start3A_100 = tpu.memref_slice %arg3[%multiple_of3A_96] : memref<160000xi32, #tpu.memory_space<hbm>> -> memref<800xi32, #tpu.memory_space<hbm>>
        tpu.enqueue_dma source(%dma_start3A_100 : memref<800xi32, #tpu.memory_space<hbm>>) target(%arg10 : memref<800xi32, #tpu.memory_space<vmem>>) target_semaphore(%arg17 : memref<!tpu.dma_semaphore, #tpu.memory_space<semaphore_mem>>)
      } else {
      }
      %dma_wait3A_71 = arith.constant 0 : i32
      %dma_wait3A_72 = tpu.memref_slice %arg4[%dma_wait3A_71] : memref<160000xi32, #tpu.memory_space<hbm>> -> memref<800xi32, #tpu.memory_space<hbm>>
      %dma_wait3A_73 = arith.constant 0 : i32
      %dma_wait3A_74 = tpu.memref_slice %arg4[%dma_wait3A_73] : memref<160000xi32, #tpu.memory_space<hbm>> -> memref<800xi32, #tpu.memory_space<hbm>>
      tpu.wait_dma2 semaphore(%arg18 : memref<!tpu.dma_semaphore, #tpu.memory_space<semaphore_mem>>) src(%dma_wait3A_74 : memref<800xi32, #tpu.memory_space<hbm>>) dst(%arg11 : memref<800xi32, #tpu.memory_space<vmem>>)
      %dma_wait3A_75 = arith.constant 0 : i32
      %dma_wait3A_76 = tpu.memref_slice %arg3[%dma_wait3A_75] : memref<160000xi32, #tpu.memory_space<hbm>> -> memref<800xi32, #tpu.memory_space<hbm>>
      %dma_wait3A_77 = arith.constant 0 : i32
      %dma_wait3A_78 = tpu.memref_slice %arg3[%dma_wait3A_77] : memref<160000xi32, #tpu.memory_space<hbm>> -> memref<800xi32, #tpu.memory_space<hbm>>
      tpu.wait_dma2 semaphore(%arg18 : memref<!tpu.dma_semaphore, #tpu.memory_space<semaphore_mem>>) src(%dma_wait3A_78 : memref<800xi32, #tpu.memory_space<hbm>>) dst(%arg12 : memref<800xi32, #tpu.memory_space<vmem>>)
      %broadcast_in_dim3A_79 = arith.constant 320 : i32
      %broadcast_in_dim3A_80 = vector.broadcast %broadcast_in_dim3A_79 : i32 to vector<16xi32>
      %broadcast_in_dim3A_81 = arith.constant 0 : i32
      %broadcast_in_dim3A_82 = vector.broadcast %broadcast_in_dim3A_81 : i32 to vector<16xi32>
      %swap3A_83 = arith.constant 0 : index
      %swap3A_84 = tpu.vector_load %arg13[%swap3A_83] {strides = array<i32>} : memref<832xi32, #tpu.memory_space<vmem>>, vector<16xi32>,
      tpu.vector_store %arg13[%swap3A_83], %broadcast_in_dim3A_80 {strides = array<i32>} : memref<832xi32, #tpu.memory_space<vmem>>, vector<16xi32>,
      %swap3A_85 = arith.constant 16 : index
      %swap3A_86 = tpu.vector_load %arg13[%swap3A_85] {strides = array<i32>} : memref<832xi32, #tpu.memory_space<vmem>>, vector<16xi32>,
      tpu.vector_store %arg13[%swap3A_85], %broadcast_in_dim3A_80 {strides = array<i32>} : memref<832xi32, #tpu.memory_space<vmem>>, vector<16xi32>,
      %swap3A_87 = arith.constant 0 : index
      %swap3A_88 = tpu.vector_load %arg14[%swap3A_87] {strides = array<i32>} : memref<832xi32, #tpu.memory_space<vmem>>, vector<16xi32>,
      tpu.vector_store %arg14[%swap3A_87], %broadcast_in_dim3A_82 {strides = array<i32>} : memref<832xi32, #tpu.memory_space<vmem>>, vector<16xi32>,
      %swap3A_89 = arith.constant 16 : index
      %swap3A_90 = tpu.vector_load %arg14[%swap3A_89] {strides = array<i32>} : memref<832xi32, #tpu.memory_space<vmem>>, vector<16xi32>,
      tpu.vector_store %arg14[%swap3A_89], %broadcast_in_dim3A_82 {strides = array<i32>} : memref<832xi32, #tpu.memory_space<vmem>>, vector<16xi32>,
      %scan3A_91 = arith.constant 0 : i32
      scf.yield %scan3A_91 : i32
    }
    %scan3A_26 = arith.constant 100 : i32
    %mul3A_27 = arith.constant 64 : i32
    %mul3A_28 = arith.muli %mul3A_2, %mul3A_27 : i32
    "tpu.region"() ({
      %run_scoped3A = tpu.sem_alloc : memref<!tpu.dma_semaphore, #tpu.memory_space<semaphore_mem>>
      %dma_start3A_33 = arith.constant 0 : i32
      %dma_start3A_34 = tpu.memref_slice %arg7[%dma_start3A_33] : memref<20544xi32, #tpu.memory_space<vmem>> -> memref<20480xi32, #tpu.memory_space<vmem>>
      %dma_start3A_35 = tpu.memref_slice %arg5[%mul3A_28] : memref<1310720xi32, #tpu.memory_space<hbm>> -> memref<20480xi32, #tpu.memory_space<hbm>>
      %dma_start3A_36 = tpu.memref_slice %arg5[%mul3A_28] : memref<1310720xi32, #tpu.memory_space<hbm>> -> memref<20480xi32, #tpu.memory_space<hbm>>
      %dma_start3A_37 = arith.constant 0 : i32
      %dma_start3A_38 = tpu.memref_slice %arg7[%dma_start3A_37] : memref<20544xi32, #tpu.memory_space<vmem>> -> memref<20480xi32, #tpu.memory_space<vmem>>
      tpu.enqueue_dma source(%dma_start3A_38 : memref<20480xi32, #tpu.memory_space<vmem>>) target(%dma_start3A_36 : memref<20480xi32, #tpu.memory_space<hbm>>) target_semaphore(%run_scoped3A : memref<!tpu.dma_semaphore, #tpu.memory_space<semaphore_mem>>)
      %dma_wait3A = arith.constant 0 : i32
      %dma_wait3A_39 = tpu.memref_slice %arg7[%dma_wait3A] : memref<20544xi32, #tpu.memory_space<vmem>> -> memref<20480xi32, #tpu.memory_space<vmem>>
      %dma_wait3A_40 = tpu.memref_slice %arg5[%mul3A_28] : memref<1310720xi32, #tpu.memory_space<hbm>> -> memref<20480xi32, #tpu.memory_space<hbm>>
      %dma_wait3A_41 = tpu.memref_slice %arg5[%mul3A_28] : memref<1310720xi32, #tpu.memory_space<hbm>> -> memref<20480xi32, #tpu.memory_space<hbm>>
      %dma_wait3A_42 = arith.constant 0 : i32
      %dma_wait3A_43 = tpu.memref_slice %arg7[%dma_wait3A_42] : memref<20544xi32, #tpu.memory_space<vmem>> -> memref<20480xi32, #tpu.memory_space<vmem>>
      tpu.wait_dma2 semaphore(%run_scoped3A : memref<!tpu.dma_semaphore, #tpu.memory_space<semaphore_mem>>) src(%dma_wait3A_43 : memref<20480xi32, #tpu.memory_space<vmem>>) dst(%dma_wait3A_41 : memref<20480xi32, #tpu.memory_space<hbm>>)
      tpu.yield
    }) : () -> ()
    %add3A_29 = arith.constant 10240 : i32
    %add3A_30 = arith.addi %add3A_29, %mul3A_2 : i32
    %mul3A_31 = arith.constant 64 : i32
    %mul3A_32 = arith.muli %add3A_30, %mul3A_31 : i32
    "tpu.region"() ({
      %run_scoped3A = tpu.sem_alloc : memref<!tpu.dma_semaphore, #tpu.memory_space<semaphore_mem>>
      %dma_start3A_33 = arith.constant 0 : i32
      %dma_start3A_34 = tpu.memref_slice %arg8[%dma_start3A_33] : memref<20544xi32, #tpu.memory_space<vmem>> -> memref<20480xi32, #tpu.memory_space<vmem>>
      %dma_start3A_35 = tpu.memref_slice %arg5[%mul3A_32] : memref<1310720xi32, #tpu.memory_space<hbm>> -> memref<20480xi32, #tpu.memory_space<hbm>>
      %dma_start3A_36 = tpu.memref_slice %arg5[%mul3A_32] : memref<1310720xi32, #tpu.memory_space<hbm>> -> memref<20480xi32, #tpu.memory_space<hbm>>
      %dma_start3A_37 = arith.constant 0 : i32
      %dma_start3A_38 = tpu.memref_slice %arg8[%dma_start3A_37] : memref<20544xi32, #tpu.memory_space<vmem>> -> memref<20480xi32, #tpu.memory_space<vmem>>
      tpu.enqueue_dma source(%dma_start3A_38 : memref<20480xi32, #tpu.memory_space<vmem>>) target(%dma_start3A_36 : memref<20480xi32, #tpu.memory_space<hbm>>) target_semaphore(%run_scoped3A : memref<!tpu.dma_semaphore, #tpu.memory_space<semaphore_mem>>)
      %dma_wait3A = arith.constant 0 : i32
      %dma_wait3A_39 = tpu.memref_slice %arg8[%dma_wait3A] : memref<20544xi32, #tpu.memory_space<vmem>> -> memref<20480xi32, #tpu.memory_space<vmem>>
      %dma_wait3A_40 = tpu.memref_slice %arg5[%mul3A_32] : memref<1310720xi32, #tpu.memory_space<hbm>> -> memref<20480xi32, #tpu.memory_space<hbm>>
      %dma_wait3A_41 = tpu.memref_slice %arg5[%mul3A_32] : memref<1310720xi32, #tpu.memory_space<hbm>> -> memref<20480xi32, #tpu.memory_space<hbm>>
      %dma_wait3A_42 = arith.constant 0 : i32
      %dma_wait3A_43 = tpu.memref_slice %arg8[%dma_wait3A_42] : memref<20544xi32, #tpu.memory_space<vmem>> -> memref<20480xi32, #tpu.memory_space<vmem>>
      tpu.wait_dma2 semaphore(%run_scoped3A : memref<!tpu.dma_semaphore, #tpu.memory_space<semaphore_mem>>) src(%dma_wait3A_43 : memref<20480xi32, #tpu.memory_space<vmem>>) dst(%dma_wait3A_41 : memref<20480xi32, #tpu.memory_space<hbm>>)
      tpu.yield
    }) : () -> ()
    return
  }
}

module attributes {stable_mosaic.version = 14 : i64} {
  func.func @_mm_body(%arg0: i32, %arg1: memref<2000x256xf32, #tpu.memory_space<vmem>>, %arg2: memref<256x256xf32, #tpu.memory_space<vmem>>, %arg3: memref<256x256xf32, #tpu.memory_space<vmem>>, %arg4: memref<2000x256xf32, #tpu.memory_space<vmem>>, %arg5: memref<2000x256xf32, #tpu.memory_space<vmem>>, %arg6: memref<2000x256xbf16, #tpu.memory_space<vmem>>) attributes {dimension_semantics = [#tpu.dimension_semantics<arbitrary>], iteration_bounds = array<i64: 5>, scalar_prefetch = 0 : i64, scratch_operands = 0 : i64, tpu.core_type = #tpu.core_type<tc>, window_params = [{transform_indices = @transform_0, window_bounds = array<i64: 2000, 256>}, {pipeline_mode = #tpu.pipeline_mode<synchronous>, transform_indices = @transform_1, window_bounds = array<i64: 256, 256>}, {pipeline_mode = #tpu.pipeline_mode<synchronous>, transform_indices = @transform_2, window_bounds = array<i64: 256, 256>}, {transform_indices = @transform_3, window_bounds = array<i64: 2000, 256>}, {transform_indices = @transform_4, window_bounds = array<i64: 2000, 256>}, {transform_indices = @transform_5, window_bounds = array<i64: 2000, 256>}]} {
    %get3A = arith.constant 0 : index
    %get3A_0 = arith.constant 0 : index
    %get3A_1 = vector.load %arg1[%get3A, %get3A_0] : memref<2000x256xf32, #tpu.memory_space<vmem>>, vector<2000x256xf32>
    %get3A_2 = arith.constant 0 : index
    %get3A_3 = arith.constant 0 : index
    %get3A_4 = vector.load %arg2[%get3A_2, %get3A_3] : memref<256x256xf32, #tpu.memory_space<vmem>>, vector<256x256xf32>
    %dot_general3A = arith.constant dense<0.000000e+00> : vector<2000x256xf32>
    %dot_general3A_5 = tpu.matmul %get3A_1, %get3A_4, %dot_general3A {dimension_numbers = #tpu.dot_dimension_numbers<[1], [1], [0], [0], [0, 0, 1, 0], [], []>, transpose_lhs_hint = false} : vector<2000x256xf32>, vector<256x256xf32>, vector<2000x256xf32> -> vector<2000x256xf32>
    %swap3A = arith.constant 0 : index
    %swap3A_6 = arith.constant 0 : index
    %swap3A_7 = vector.load %arg4[%swap3A, %swap3A_6] : memref<2000x256xf32, #tpu.memory_space<vmem>>, vector<2000x256xf32>
    tpu.vector_store %arg4[%swap3A, %swap3A_6], %dot_general3A_5 {strides = array<i32>} : memref<2000x256xf32, #tpu.memory_space<vmem>>, vector<2000x256xf32>,
    %convert_element_type3A = arith.truncf %dot_general3A_5 : vector<2000x256xf32> to vector<2000x256xbf16>
    %swap3A_8 = arith.constant 0 : index
    %swap3A_9 = arith.constant 0 : index
    %swap3A_10 = vector.load %arg6[%swap3A_8, %swap3A_9] : memref<2000x256xbf16, #tpu.memory_space<vmem>>, vector<2000x256xbf16>
    tpu.vector_store %arg6[%swap3A_8, %swap3A_9], %convert_element_type3A {strides = array<i32>} : memref<2000x256xbf16, #tpu.memory_space<vmem>>, vector<2000x256xbf16>,
    %get3A_11 = arith.constant 0 : index
    %get3A_12 = arith.constant 0 : index
    %get3A_13 = vector.load %arg3[%get3A_11, %get3A_12] : memref<256x256xf32, #tpu.memory_space<vmem>>, vector<256x256xf32>
    %dot_general3A_14 = arith.constant dense<0.000000e+00> : vector<2000x256xf32>
    %dot_general3A_15 = tpu.matmul %get3A_1, %get3A_13, %dot_general3A_14 {dimension_numbers = #tpu.dot_dimension_numbers<[1], [1], [0], [0], [0, 0, 1, 0], [], []>, transpose_lhs_hint = false} : vector<2000x256xf32>, vector<256x256xf32>, vector<2000x256xf32> -> vector<2000x256xf32>
    %swap3A_16 = arith.constant 0 : index
    %swap3A_17 = arith.constant 0 : index
    %swap3A_18 = vector.load %arg5[%swap3A_16, %swap3A_17] : memref<2000x256xf32, #tpu.memory_space<vmem>>, vector<2000x256xf32>
    tpu.vector_store %arg5[%swap3A_16, %swap3A_17], %dot_general3A_15 {strides = array<i32>} : memref<2000x256xf32, #tpu.memory_space<vmem>>, vector<2000x256xf32>,
    return
  }
  func.func @transform_0(%arg0: i32) -> (i32, i32) {
    %c0_i32 = arith.constant 0 : i32
    %c0_i32_0 = arith.constant 0 : i32
    return %arg0, %c0_i32 : i32, i32
  }
  func.func @transform_1(%arg0: i32) -> (i32, i32) {
    %c0_i32 = arith.constant 0 : i32
    %c0_i32_0 = arith.constant 0 : i32
    %c0_i32_1 = arith.constant 0 : i32
    return %c0_i32, %c0_i32_0 : i32, i32
  }
  func.func @transform_2(%arg0: i32) -> (i32, i32) {
    %c0_i32 = arith.constant 0 : i32
    %c0_i32_0 = arith.constant 0 : i32
    %c0_i32_1 = arith.constant 0 : i32
    return %c0_i32, %c0_i32_0 : i32, i32
  }
  func.func @transform_3(%arg0: i32) -> (i32, i32) {
    %c0_i32 = arith.constant 0 : i32
    %c0_i32_0 = arith.constant 0 : i32
    return %arg0, %c0_i32 : i32, i32
  }
  func.func @transform_4(%arg0: i32) -> (i32, i32) {
    %c0_i32 = arith.constant 0 : i32
    %c0_i32_0 = arith.constant 0 : i32
    return %arg0, %c0_i32 : i32, i32
  }
  func.func @transform_5(%arg0: i32) -> (i32, i32) {
    %c0_i32 = arith.constant 0 : i32
    %c0_i32_0 = arith.constant 0 : i32
    return %arg0, %c0_i32 : i32, i32
  }
}

module attributes {stable_mosaic.version = 14 : i64} {
  func.func @_comb_body(%arg0: i32, %arg1: memref<2000x256xf32, #tpu.memory_space<vmem>>, %arg2: memref<2000x256xf32, #tpu.memory_space<vmem>>, %arg3: memref<2000x256xbf16, #tpu.memory_space<vmem>>, %arg4: memref<2000x256xf32, #tpu.memory_space<vmem>>) attributes {dimension_semantics = [#tpu.dimension_semantics<arbitrary>], iteration_bounds = array<i64: 5>, scalar_prefetch = 0 : i64, scratch_operands = 0 : i64, tpu.core_type = #tpu.core_type<tc>, window_params = [{transform_indices = @transform_0, window_bounds = array<i64: 2000, 256>}, {transform_indices = @transform_1, window_bounds = array<i64: 2000, 256>}, {transform_indices = @transform_2, window_bounds = array<i64: 2000, 256>}, {transform_indices = @transform_3, window_bounds = array<i64: 2000, 256>}]} {
    %get3A = arith.constant 0 : index
    %get3A_0 = arith.constant 0 : index
    %get3A_1 = vector.load %arg3[%get3A, %get3A_0] : memref<2000x256xbf16, #tpu.memory_space<vmem>>, vector<2000x256xbf16>
    %convert_element_type3A = arith.extf %get3A_1 : vector<2000x256xbf16> to vector<2000x256xf32>
    %get3A_2 = arith.constant 0 : index
    %get3A_3 = arith.constant 0 : index
    %get3A_4 = vector.load %arg2[%get3A_2, %get3A_3] : memref<2000x256xf32, #tpu.memory_space<vmem>>, vector<2000x256xf32>
    %gt3A = arith.constant -3.000000e+38 : f32
    %gt3A_5 = vector.broadcast %gt3A : f32 to vector<2000x256xf32>
    %gt3A_6 = arith.cmpf ogt, %convert_element_type3A, %gt3A_5 : vector<2000x256xf32>
    %get3A_7 = arith.constant 0 : index
    %get3A_8 = arith.constant 0 : index
    %get3A_9 = vector.load %arg1[%get3A_7, %get3A_8] : memref<2000x256xf32, #tpu.memory_space<vmem>>, vector<2000x256xf32>
    %sub3A = arith.subf %convert_element_type3A, %get3A_9 : vector<2000x256xf32>
    %jit3A = arith.constant 0.000000e+00 : f32
    %broadcast_in_dim3A = vector.broadcast %jit3A : f32 to vector<2000x256xf32>
    %select_n3A = arith.select %gt3A_6, %sub3A, %broadcast_in_dim3A : vector<2000x256xi1>, vector<2000x256xf32>
    %add3A = arith.addf %get3A_4, %select_n3A : vector<2000x256xf32>
    %swap3A = arith.constant 0 : index
    %swap3A_10 = arith.constant 0 : index
    %swap3A_11 = vector.load %arg4[%swap3A, %swap3A_10] : memref<2000x256xf32, #tpu.memory_space<vmem>>, vector<2000x256xf32>
    tpu.vector_store %arg4[%swap3A, %swap3A_10], %add3A {strides = array<i32>} : memref<2000x256xf32, #tpu.memory_space<vmem>>, vector<2000x256xf32>,
    return
  }
  func.func @transform_0(%arg0: i32) -> (i32, i32) {
    %c0_i32 = arith.constant 0 : i32
    %c0_i32_0 = arith.constant 0 : i32
    return %arg0, %c0_i32 : i32, i32
  }
  func.func @transform_1(%arg0: i32) -> (i32, i32) {
    %c0_i32 = arith.constant 0 : i32
    %c0_i32_0 = arith.constant 0 : i32
    return %arg0, %c0_i32 : i32, i32
  }
  func.func @transform_2(%arg0: i32) -> (i32, i32) {
    %c0_i32 = arith.constant 0 : i32
    %c0_i32_0 = arith.constant 0 : i32
    return %arg0, %c0_i32 : i32, i32
  }
  func.func @transform_3(%arg0: i32) -> (i32, i32) {
    %c0_i32 = arith.constant 0 : i32
    %c0_i32_0 = arith.constant 0 : i32
    return %arg0, %c0_i32 : i32, i32
  }
}

</mosaic_0001>

<sc_bundles>
// kernel: kernel.5.cloned.1.call-start
scs
__scs_entry_jumppad:
0x0: {  	(pc) =	sbr.rel $0x88, $3  }
0x1: {  	(tag) =	ssettag $0x0;
	lr =	simm.s32 $0x1  }
0x2: {  	[smem:$0x3F9D] =	sst lr;
	_ =	strace $0xD0000000  }
0x3: {  	_ = 	snop  }
0x4: {  	_ = 	snop  }
0x5: {  	_ = 	snop  }
0x6: {  	_ = 	snop  }
0x7: {  	_ = 	snop  }
__scs_overlays_trampoline_lowered:
0x8: {  	[smem:$0x3FAC] =	sst s0  }
0x9: {  	[smem:$0x3FAD] =	sst s1  }
0xa: {  	[smem:$0x3FAE] =	sst s2  }
0xb: {  	[smem:$0x3FAF] =	sst s3  }
0xc: {  	[smem:$0x3FB0] =	sst s4  }
0xd: {  	[smem:$0x3FB1] =	sst s5  }
0xe: {  	[smem:$0x3FB2] =	sst s6  }
0xf: {  	[smem:$0x3FB3] =	sst s7  }
0x10: {  	[smem:$0x3FB4] =	sst s8  }
0x11: {  	[smem:$0x3FB5] =	sst s9;
	s0 =	simm.s32 @!p0 $0x0  }
0x12: {  	s1 =	sld [smem:$0x3F9B];
	s0 =	simm.s32 @p0 $0x1  }
0x13: {  	[smem:$0x3FB6] =	sst s0;
	s0 =	simm.s32 @!p1 $0x0  }
0x14: {  	s2 =	sld [smem:$0x3F9A];
	s0 =	simm.s32 @p1 $0x1  }
0x15: {  	[smem:$0x3FB7] =	sst s0;
	s0 =	simm.s32 @!p2 $0x0  }
0x16: {  	s3 =	sld [smem:$0x3FDB];
	s0 =	simm.s32 @p2 $0x1  }
0x17: {  	s4 =	simm.s32 $0x1BF5;
	[smem:$0x3FB9] =	sst s0  }
0x18: {  	s0 =	sld [smem:$0x3F9C];
	_ =	swait.ge [sflag:s4], $0x0  }
0x19: {  	s7 =	sld [smem:$0x3F9D]  }
0x1a: {  	s8 =	sadd.s32 $0xFFFFE003, lr  }
0x1b: {  	s9 =	sadd.s32 $0xFFFFFEF7, lr;
	s5 =	simm.s32 $0xFFFFFFFF;
	p2 =	slt.u32 s8, $0xFFFFF086  }
0x1c: {  	p1 =	slt.u32 s9, $0xF7A;
	s5 =	simm.s32 @!p2 $0x0  }
0x1d: {  	s5 =	simm.s32 @p1 $0x1;
	p0 =	seq.s32 s7, s2  }
0x1e: {  	s7 =	smul.u32 @!p0 $0xF7A, s2;
	p2 =	seq.s32 @!p0 s5, $0x0  }
0x1f: {  	s9 =	smul.u32 $0xF7A, s1;
	s8 =	simm.s32 @!p0 $0x1BF5;
	p2 =	por !p2, p0  }
0x20: {  	[sflag:s8] =	ssyncset.s32 @!p0 $0xFFFFF086;
	s6 =	sadd.s32 @!p0 s3, s7;
	s7 =	simm.s32 @!p0 $0x108  }
0x21: {  	s3 =	sadd.s32 s3, s9;
	s6 =	sadd.s32 @!p0 $0x88, s6;
	s7 =	simm.s32 @p2 $0x1082  }
0x22: {  	[simem:s7], [sflag:s8] =	dma.local @!p0 [hbm:s6], $0xF7A  }
0x23: {  	s9 =	sor.u32 $0xD0000000, s2;
	s6 =	simm.s32 $0x108;
	_ =	swait.ge @!p0 [sflag:s8], $0x0  }
0x24: {  	s3 =	sadd.s32 $0x88, s3;
	s6 =	simm.s32 @!p1 $0x1082;
	[sflag:s4] =	ssyncset.s32 $0xFFFFF086  }
0x25: {  	[simem:s6], [sflag:s4] =	dma.local [hbm:s3], $0xF7A  }
0x26: {  	[smem:$0x3F9D] =	sst s1;
	(tag) =	ssettag s2;
	_ =	strace s9  }
0x27: {  	s1 =	sld [smem:$0x3FAD]  }
0x28: {  	s2 =	sld [smem:$0x3FAE]  }
0x29: {  	s4 =	sld [smem:$0x3FB0]  }
0x2a: {  	p0 =	seq.s32 s5, $0x0;
	s5 =	sld [smem:$0x3FB1]  }
0x2b: {  	s6 =	sld [smem:$0x3FB2]  }
0x2c: {  	s7 =	sld [smem:$0x3FB3]  }
0x2d: {  	s3 =	simm.s32 $0x108;
	s8 =	sld [smem:$0x3FB4]  }
0x2e: {  	s3 =	simm.s32 @!p0 $0x1082;
	s9 =	sld [smem:$0x3FB5]  }
0x2f: {  	lr =	sadd.s32 s0, s3;
	s0 =	sld [smem:$0x3FAC]  }
0x30: {  	s3 =	sld [smem:$0x3FAF]  }
0x31: {  	[smem:$0x3FB8] =	sst s10  }
0x32: {  	s10 =	sld [smem:$0x3FB6];
	_ =	sdelay $0x3  }
0x33: {  	p0 =	seq.s32 s10, $0x1;
	s10 =	sld [smem:$0x3FB8];
	_ =	sdelay $0x3  }
0x34: {  	[smem:$0x3FB8] =	sst s10  }
0x35: {  	s10 =	sld [smem:$0x3FB7];
	_ =	sdelay $0x3  }
0x36: {  	p1 =	seq.s32 s10, $0x1;
	s10 =	sld [smem:$0x3FB8];
	_ =	sdelay $0x3  }
0x37: {  	[smem:$0x3FB8] =	sst s10  }
0x38: {  	s10 =	sld [smem:$0x3FB9]  }
0x39: {  	_ = 	snop;
	(pc) =	sbr.ind lr, $3  }
0x3a: {  	_ = 	snop  }
0x3b: {  	_ = 	snop  }
0x3c: {  	p2 =	seq.s32 s10, $0x1;
	s10 =	sld [smem:$0x3FB8]  }
0x3d: {  	_ =	shalt  }
0x3e: {  	_ =	shalt  }
0x3f: {  	_ =	shalt  }
0x40: {  	_ =	shalt  }
0x41: {  	_ =	shalt  }
0x42: {  	_ =	shalt  }
0x43: {  	_ =	shalt  }
0x44: {  	_ =	shalt  }
0x45: {  	_ =	shalt  }
0x46: {  	_ =	shalt  }
0x47: {  	_ =	shalt  }
0x48: {  	_ =	shalt  }
0x49: {  	_ =	shalt  }
0x4a: {  	_ =	shalt  }
0x4b: {  	_ =	shalt  }
0x4c: {  	_ =	shalt  }
0x4d: {  	_ =	shalt  }
0x4e: {  	_ =	shalt  }
0x4f: {  	_ =	shalt  }
0x50: {  	_ =	shalt  }
0x51: {  	_ =	shalt  }
0x52: {  	_ =	shalt  }
0x53: {  	_ =	shalt  }
0x54: {  	_ =	shalt  }
0x55: {  	_ =	shalt  }
0x56: {  	_ =	shalt  }
0x57: {  	_ =	shalt  }
0x58: {  	_ =	shalt  }
0x59: {  	_ =	shalt  }
0x5a: {  	_ =	shalt  }
0x5b: {  	_ =	shalt  }
0x5c: {  	_ =	shalt  }
0x5d: {  	_ =	shalt  }
0x5e: {  	_ =	shalt  }
0x5f: {  	_ =	shalt  }
0x60: {  	_ =	shalt  }
0x61: {  	_ =	shalt  }
0x62: {  	_ =	shalt  }
0x63: {  	_ =	shalt  }
0x64: {  	_ =	shalt  }
0x65: {  	_ =	shalt  }
0x66: {  	_ =	shalt  }
0x67: {  	_ =	shalt  }
0x68: {  	_ =	shalt  }
0x69: {  	_ =	shalt  }
0x6a: {  	_ =	shalt  }
0x6b: {  	_ =	shalt  }
0x6c: {  	_ =	shalt  }
0x6d: {  	_ =	shalt  }
0x6e: {  	_ =	shalt  }
0x6f: {  	_ =	shalt  }
0x70: {  	_ =	shalt  }
0x71: {  	_ =	shalt  }
0x72: {  	_ =	shalt  }
0x73: {  	_ =	shalt  }
0x74: {  	_ =	shalt  }
0x75: {  	_ =	shalt  }
0x76: {  	_ =	shalt  }
0x77: {  	_ =	shalt  }
0x78: {  	_ =	shalt  }
0x79: {  	_ =	shalt  }
0x7a: {  	_ =	shalt  }
0x7b: {  	_ =	shalt  }
0x7c: {  	_ =	shalt  }
0x7d: {  	_ =	shalt  }
0x7e: {  	_ =	shalt  }
0x7f: {  	_ =	shalt  }
0x80: {  	_ =	shalt  }
0x81: {  	_ =	shalt  }
0x82: {  	_ =	shalt  }
0x83: {  	_ =	shalt  }
0x84: {  	_ =	shalt  }
0x85: {  	_ =	shalt  }
0x86: {  	_ =	shalt  }
0x87: {  	_ =	shalt  }
.Lfunc_end0:
.L_simem_size_0:
called_computation_lowered:
.L_overlay_start_0:
0x88: {  	s2 =	sld [smem:$0x3FD9]  }
0x89: {  	s3 =	sld [smem:$0x3FFE];
	_ =	sdelay $0x1  }
0x8a: {  	s1 =	srdreg.scid  }
0x8b: {  	s0 =	sand.u32 $0x1, s1  }
0x8c: {  	s17 =	sshll.u32 s0, $0xA;
	s2 =	sadd.s32 s3, s2  }
0x8d: {  	s2 =	sadd.s32 s2, s17  }
0x8e: {  	[smem:$0x3FC4] =	sst s2  }
0x8f: {  	_ = 	snop  }
0x90: {  	s2 =	sld [smem:$0x3FD0];
	(tm) =	ssettm $0x1  }
0x91: {  	s18 =	sld [smem:$0x3FFB];
	_ =	sdelay $0x3  }
0x92: {  	_ =	strace s18  }
0x93: {  	s3 =	sld [smem:$0x3FFC];
	_ =	sdelay $0x3  }
0x94: {  	_ =	strace s3  }
0x95: {  	s3 =	sld [smem:$0x3FFD];
	_ =	sdelay $0x3  }
0x96: {  	_ =	strace s3  }
0x97: {  	_ =	strace $0x8FFFFFFF  }
0x98: {  	s19 =	sld [smem:$0x3FDB];
	_ =	sdelay $0x1  }
0x99: {  	s4 =	simm.s32 $_scs_section_size  }
0x9a: {  	s5 =	simm.s32 $_size__tile_overlayer_lowered;
	s6 =	simm.s32 $_tile_overlayer_lowered  }
0x9b: {  	s22 =	simm.s32 $0x1BFF;
	s21 =	sshll.u32 s6, $0x1;
	s3 =	sadd.s32 s4, s19  }
0x9c: {  	s7 =	simm.s32 $0x0;
	s20 =	sshll.u32 s5, $0x1;
	s5 =	sadd.s32 s21, s3  }
0x9d: {  	[timem:s7], [sflag:s22] =	dma.local [hbm:s5], s20  }
0x9e: {  	_ =	swait.ge [sflag:s22], s20  }
0x9f: {  	s4 =	ssub.s32 $0x0, s20;
	[sflag:s22] =	ssyncset.done $0x0  }
0xa0: {  	[sflag:s22] =	ssyncadd.s32 s4;
	_ =	sdelay $0x1  }
0xa1: {  	s23 =	simm.s32 $0x1B8B  }
0xa2: {  	_ =	swait.ge [sflag:s23], $0x1  }
0xa3: {  	[sflag:s23] =	ssyncset.done $0x0  }
0xa4: {  	s25 =	simm.s32 $0x1B8E;
	s24 =	sld [smem:$0x3FFE];
	[sflag:s23] =	ssyncadd.s32 $0xFFFFFFFF  }
0xa5: {  	s26 =	simm.s32 $execute0_lowered;
	[smem:$0x3FD2] =	sst s25  }
0xa6: {  	s5 =	sshll.u32 s26, $0x1;
	_ =	strace $0x80000046;
	[dreg:$0x1] =	wrdreg $0xFFFFFFFF  }
0xa7: {  	s28 =	simm.s32 $_size_execute0_lowered;
	s3 =	sadd.s32 s3, s5;
	[dreg:$0x0] =	wrdreg $0x0  }
0xa8: {  	s5 =	sshll.u32 s28, $0x1;
	[dreg:$0x2] =	wrdreg s3  }
0xa9: {  	[dreg:$0x3] =	wrdreg s5  }
0xaa: {  	[dreg:$0x4] =	wrdreg $0xC0  }
0xab: {  	_ =	task [dreg:s7], $0x5FFFF  }
0xac: {  	[dreg:$0x1] =	wrdreg $0xFFFFFFFF  }
0xad: {  	[dreg:$0x0] =	wrdreg $0x60  }
0xae: {  	[dreg:$0x2] =	wrdreg s24  }
0xaf: {  	[dreg:$0x3] =	wrdreg s2  }
0xb0: {  	[dreg:$0x4] =	wrdreg $0x0  }
0xb1: {  	[dreg:$0x5] =	wrdreg $0x9  }
0xb2: {  	_ =	task.clear_ibuf [dreg:s7], $0x6FFFF;
	_ =	strace $0x90000046  }
0xb3: {  	s29 =	simm.s32 $0x9;
	_ =	strace $0x80000048  }
0xb4: {  	_ =	swait.ge [sflag:s29], $0x1  }
0xb5: {  	[sflag:s29] =	ssyncadd.s32 $0xFFFFFFFF  }
0xb6: {  	_ =	strace $0x90000048  }
0xb7: {  	_ =	sfence  }
0xb8: {  	s30 =	sld [smem:$0x0];
	_ =	sdelay $0x2  }
0xb9: {  	s31 =	sshll.u32 s1, $0xD;
	s1 =	sshrl.u32 s1, $0x2  }
0xba: {  	s3 =	sand.u32 $0x4000, s31;
	s1 =	sadd.s32 s1, s30  }
0xbb: {  	s0 =	sor.u32 s3, s0;
	s1 =	sshll.u32 s1, $0x11  }
0xbc: {  	s0 =	sor.u32 s1, s0  }
0xbd: {  	s0 =	sadd.s32 $0x8F2B, s0  }
0xbe: {  	[sflag:s0] =	ssyncadd.remote.s32 $0x1  }
0xbf: {  	_ =	sfence.sel $0xFFFF  }
0xc0: {  	[dreg:$0x0] =	wrdreg $0xFFFFFFFF;
	(pc) =	sbr.abs _section_cstart, $3  }
0xc1: {  	[dreg:$0x1] =	wrdreg $0xFFFFFFFF  }
0xc2: {  	_ =	task.clear_ibuf [dreg:s7], $0x2FFFF;
	_ =	strace $0x9FFFFFFF  }
0xc3: {  	(tm) =	ssettm $0x7FFFFFFF  }
tec
execute0_lowered:
.L_overlay_start_1:
0x0: {  	(tag) =	ssettag $0x1  }
0x1: {  	s11 =	rddreg [dreg:$0x0]  }
0x2: {  	s7 =	rddreg [dreg:$0x1]  }
0x3: {  	s6 =	rddreg [dreg:$0x2]  }
0x4: {  	s0 =	rddreg [dreg:$0x3]  }
0x5: {  	s2 =	simm.s32 $0x0;
	s1 =	stileid.u32;
	s4 =	srdreg.scid  }
0x6: {  	s15 =	simm.s32 $0x1D980;
	s16 =	simm.s32 $0x1DD00;
	s17 =	simm.s32 $0x1E080  }
0x7: {  	s18 =	simm.s32 $0x1E400;
	s19 =	simm.s32 $0x1;
	s20 =	simm.s32 $0x2  }
0x8: {  	s21 =	simm.s32 $0x13880;
	s22 =	simm.s32 $0x3;
	s23 =	simm.s32 $0x18900  }
0x9: {  	s24 =	simm.s32 $0x0;
	[smem:$0x7FF] =	sst s2;
	s3 =	smul.u32 $0x2700, s1  }
0xa: {  	s26 =	sand.u32 $0x1, s4;
	s28 =	sshll.u32 s1, $0x1;
	s10 =	smul.u32 $0x4E000, s1  }
0xb: {  	s4 =	sadd.s32 $0x75400, s11;
	p0 =	seq.s32 s1, $0xF;
	_ =	strace $0x80000047  }
0xc: {  	s8 =	ssub.s32 $0x2, s26;
	s9 =	sor.u32 s26, s28;
	s5 =	sadd.s32 s3, s11  }
0xd: {  	s3 =	sadd.s32 $0x7A400, s11;
	s12 =	sshrl.u32 s8, $0x1;
	s13 =	smul.u32 $0x5000, s9  }
0xe: {  	s29 =	sshrl.u32 s10, $0x2;
	s30 =	smul.u32 $0xA00, s9;
	s10 =	sadd.s32 $0x7A1BC, s11  }
0xf: {  	s12 =	ssub.s32 s8, s12;
	s14 =	sadd.s32 s29, s6;
	s31 =	sshrl.u32 s13, $0x3  }
0x10: {  	s5 =	sadd.s32 $0x4E200, s5;
	s13 =	sadd.s32 $0x124800, s6;
	s9 =	sadd.s32 s7, s31  }
0x11: {  	s6 =	sadd.s32 $0x72B00, s11;
	s11 =	sadd.s32 $0x7F1BC, s11;
	s8 =	sadd.s32 $0x14000, s9  }
0x12: {  	s9 =	smax.u32 s12, $0x1;
	s12 =	sshrl.u32 @p0 s13, $0x3;
	s13 =	sshll.u32 @!p0 s1, $0x6  }
0x13: {  	v0 =	vimm.s32 $0xFF80FF80;
	v1 =	vimm.s32 $0x140;
	v2 =	vimm.s32 $0x0;
	s14 =	sshrl.u32 @!p0 s14, $0x3;
	s7 =	sadd.s32 s7, s30;
	s13 =	sor.u32 @!p0 $0x1C03, s13  }
.LBB2_1:
0x14: {  	s25 =	simm.s32 @p0 $0x1FC3  }
0x15: {  	[spmem:s12], [sflag:s25] =	dma.local @p0 [hbm:s6], $0x2800  }
0x16: {  	s25 =	simm.s32 @p0 $0x3  }
0x17: {  	_ =	swait.ge @p0 [sflag:s25], $0x2800  }
0x18: {  	[sflag:s25] =	ssyncset.done @p0 $0x0  }
0x19: {  	[sflag:s25] =	ssyncadd.s32 @p0 $0xFFFFD800;
	s25 =	simm.s32 @!p0 $0x3  }
0x1a: {  	[spmem:s14], [sflag:s13] =	dma.local @!p0 [hbm:s5], $0x2700  }
0x1b: {  	_ =	swait.ge @!p0 [sflag:s25], $0x2700  }
0x1c: {  	[sflag:s25] =	ssyncset.done @!p0 $0x0  }
0x1d: {  	s26 =	simm.s32 $0x0;
	[sflag:s25] =	ssyncadd.s32 @!p0 $0xFFFFD900;
	s25 =	simm.s32 $0x40  }
.LBB2_2:
0x1e: {  	p1 =	sne.s32 s25, $0x140C0;
	[tilespmem:s26+$0x13880] =	vst v0;
	s28 =	smov.u32 s25;
	s25 =	sadd.s32 $0x40, s25  }
.Ltmp0:
0x1f: {  	[tilespmem:s26+$0x18900] =	vst v0;
	(pc) =	sbr.rel @p1 .LBB2_2-.Ltmp0, $2  }
0x20: {  	_ =	sdelay $0x2  }
0x21: {  	s26 =	sshra.s32 s28, $0x2  }
0x22: {  	[tilespmem:s26+$0x13880] =	vst v0  }
0x23: {  	[tilespmem:s26+$0x18900] =	vst v0  }
0x24: {  	[bflag:$0x0] =	sbarrier.arrive $0xFFFF  }
0x25: {  	[tilespmem:s15], [sflag:$0x1] =	stream.linear.gather [hbm4b:s4+s2], $0x320, $0x38;
	[tilespmem:$0x1EE80] =	vst v63  }
0x26: {  	s25 =	sadd.s32 $0xFFFFB2A8, s4  }
0x27: {  	[tilespmem:s16], [sflag:$0x1] =	stream.linear.gather [hbm4b:s3+s2], $0x320, $0x38;
	[tilespmem:$0x1EE80] =	vst v63  }
0x28: {  	s28 =	sadd.s32 $0xFFFFB2A8, s3;
	s30 =	sadd.s32 $0x4DBC, s25  }
0x29: {  	[tilespmem:s17], [sflag:$0x2] =	stream.linear.gather [hbm4b:s30+s2], $0x320, $0x38;
	[tilespmem:$0x1EE80] =	vst v63  }
0x2a: {  	s31 =	sadd.s32 $0x4DBC, s28  }
0x2b: {  	[tilespmem:s18], [sflag:$0x2] =	stream.linear.gather [hbm4b:s31+s2], $0x320, $0x38;
	[tilespmem:$0x1EE80] =	vst v63  }
0x2c: {  	_ =	swait.ge [sflag:s19], $0x320  }
0x2d: {  	[sflag:s19] =	ssyncset.done $0x0  }
0x2e: {  	[sflag:s19] =	ssyncadd.s32 $0xFFFFFCE0  }
0x2f: {  	_ =	swait.ge [sflag:s19], $0x320  }
0x30: {  	[sflag:s19] =	ssyncset.done $0x0  }
0x31: {  	[sflag:s19] =	ssyncadd.s32 $0xFFFFFCE0  }
0x32: {  	[tilespmem:$0x1EB10] =	vst v2  }
0x33: {  	[tilespmem:$0x1EB00] =	vst v2  }
0x34: {  	[tilespmem:$0x1E780] =	vst v1  }
0x35: {  	s25 =	sadd.s32 $0x4E20, s25;
	[tilespmem:$0x1E790] =	vst v1  }
0x36: {  	[tilespmem:s15], [sflag:$0x1] =	stream.linear.gather [hbm4b:s25+s2], $0x320, $0x38;
	[tilespmem:$0x1EE80] =	vst v63  }
0x37: {  	s26 =	sadd.s32 $0x4E20, s28;
	s25 =	simm.s32 $0xFFFFB370  }
.LBB2_4:
0x38: {  	p1 =	sne.s32 s25, $0xFFFFFF38;
	s28 =	smov.u32 s25;
	s25 =	sadd.s32 $0xC8, s25  }
0x39: {  	[tilespmem:s16], [sflag:$0x1] =	stream.linear.gather [hbm4b:s26+s2], $0x320, $0x38;
	[tilespmem:$0x1EE80] =	vst v63  }
0x3a: {  	_ =	swait.ge [sflag:s20], $0x320  }
0x3b: {  	[sflag:s20] =	ssyncset.done $0x0  }
0x3c: {  	[sflag:s20] =	ssyncadd.s32 $0xFFFFFCE0  }
0x3d: {  	s29 =	sadd.s32 s28, s4;
	_ =	swait.ge [sflag:s20], $0x320  }
0x3e: {  	s26 =	sadd.s32 $0x4DBC, s29;
	[sflag:s20] =	ssyncset.done $0x0  }
0x3f: {  	[sflag:s20] =	ssyncadd.s32 $0xFFFFFCE0  }
0x40: {  	[tilespmem:$0x1E780] =	vst v1  }
0x41: {  	[tilespmem:$0x1E790] =	vst v1  }
0x42: {  	[tilespmem:$0x1EB00] =	vst v2  }
0x43: {  	s28 =	sadd.s32 s28, s3;
	[tilespmem:$0x1EB10] =	vst v2  }
0x44: {  	[tilespmem:s17], [sflag:$0x2] =	stream.linear.gather [hbm4b:s26+s2], $0x320, $0x38;
	[tilespmem:$0x1EE80] =	vst v63  }
0x45: {  	s30 =	sadd.s32 $0x4DBC, s28;
	s26 =	sadd.s32 $0x4E20, s28  }
0x46: {  	[tilespmem:s18], [sflag:$0x2] =	stream.linear.gather [hbm4b:s30+s2], $0x320, $0x38;
	[tilespmem:$0x1EE80] =	vst v63  }
0x47: {  	_ =	swait.ge [sflag:s19], $0x320  }
0x48: {  	[sflag:s19] =	ssyncset.done $0x0  }
0x49: {  	[sflag:s19] =	ssyncadd.s32 $0xFFFFFCE0  }
0x4a: {  	_ =	swait.ge [sflag:s19], $0x320  }
0x4b: {  	[sflag:s19] =	ssyncset.done $0x0  }
0x4c: {  	[sflag:s19] =	ssyncadd.s32 $0xFFFFFCE0  }
.Ltmp1:
0x4d: {  	[tilespmem:$0x1EB10] =	vst v2;
	(pc) =	sbr.rel @p1 .LBB2_4-.Ltmp1, $4  }
0x4e: {  	[tilespmem:$0x1EB00] =	vst v2  }
0x4f: {  	[tilespmem:$0x1E780] =	vst v1  }
0x50: {  	s28 =	sadd.s32 $0x4E20, s29;
	[tilespmem:$0x1E790] =	vst v1  }
0x51: {  	[tilespmem:s15], [sflag:$0x1] =	stream.linear.gather [hbm4b:s28+s2], $0x320, $0x38;
	[tilespmem:$0x1EE80] =	vst v63  }
0x52: {  	[tilespmem:s16], [sflag:$0x1] =	stream.linear.gather [hbm4b:s26+s2], $0x320, $0x38;
	[tilespmem:$0x1EE80] =	vst v63  }
0x53: {  	_ =	swait.ge [sflag:s20], $0x320  }
0x54: {  	[sflag:s20] =	ssyncset.done $0x0  }
0x55: {  	[sflag:s20] =	ssyncadd.s32 $0xFFFFFCE0  }
0x56: {  	_ =	swait.ge [sflag:s20], $0x320  }
0x57: {  	[sflag:s20] =	ssyncset.done $0x0  }
0x58: {  	[sflag:s20] =	ssyncadd.s32 $0xFFFFFCE0  }
0x59: {  	[tilespmem:$0x1E780] =	vst v1  }
0x5a: {  	[tilespmem:$0x1E790] =	vst v1  }
0x5b: {  	[tilespmem:$0x1EB00] =	vst v2  }
0x5c: {  	[tilespmem:$0x1EB10] =	vst v2  }
0x5d: {  	[tilespmem:s17], [sflag:$0x2] =	stream.linear.gather [hbm4b:s10+s2], $0x320, $0x38;
	[tilespmem:$0x1EE80] =	vst v63  }
0x5e: {  	_ = 	snop  }
0x5f: {  	[tilespmem:s18], [sflag:$0x2] =	stream.linear.gather [hbm4b:s11+s2], $0x320, $0x38;
	[tilespmem:$0x1EE80] =	vst v63  }
0x60: {  	_ =	swait.ge [sflag:s19], $0x320  }
0x61: {  	[sflag:s19] =	ssyncset.done $0x0  }
0x62: {  	[sflag:s19] =	ssyncadd.s32 $0xFFFFFCE0  }
0x63: {  	_ =	swait.ge [sflag:s19], $0x320  }
0x64: {  	[sflag:s19] =	ssyncset.done $0x0  }
0x65: {  	[sflag:s19] =	ssyncadd.s32 $0xFFFFFCE0  }
0x66: {  	_ =	swait.ge [sflag:s20], $0x320  }
0x67: {  	[sflag:s20] =	ssyncset.done $0x0  }
0x68: {  	[sflag:s20] =	ssyncadd.s32 $0xFFFFFCE0  }
0x69: {  	_ =	swait.ge [sflag:s20], $0x320  }
0x6a: {  	[sflag:s20] =	ssyncset.done $0x0  }
0x6b: {  	[sflag:s20] =	ssyncadd.s32 $0xFFFFFCE0  }
0x6c: {  	[tilespmem:$0x1E780] =	vst v1  }
0x6d: {  	[tilespmem:$0x1E790] =	vst v1  }
0x6e: {  	[tilespmem:$0x1EB00] =	vst v2  }
0x6f: {  	[tilespmem:$0x1EB10] =	vst v2  }
0x70: {  	[hbm4b:s7+s2] =	stream.linear.scatter [tilespmem:s21], [sflag:$0x3], $0x5000, $0x38;
	[tilespmem:$0x1EE80] =	vst v63  }
0x71: {  	s24 =	sadd.s32 $0x1, s24;
	_ =	swait.ge [sflag:s22], $0x5000  }
0x72: {  	p1 =	sne.s32 s24, s9;
	[sflag:s22] =	ssyncset.done $0x0  }
.Ltmp2:
0x73: {  	[sflag:s22] =	ssyncadd.s32 $0xFFFFB000;
	(pc) =	sbr.rel @p1 .LBB2_1-.Ltmp2, $4  }
0x74: {  	[hbm4b:s8+s2] =	stream.linear.scatter [tilespmem:s23], [sflag:$0x3], $0x5000, $0x38;
	[tilespmem:$0x1EE80] =	vst v63  }
0x75: {  	_ =	swait.ge [sflag:s22], $0x5000  }
0x76: {  	[sflag:s22] =	ssyncset.done $0x0  }
0x77: {  	[sflag:s22] =	ssyncadd.s32 $0xFFFFB000  }
0x78: {  	_ =	sfence.sel $0x180000  }
0x79: {  	[bflag:$0x0] =	sbarrier.arrive $0xFFFF  }
0x7a: {  	p0 =	sne.s32 s1, $0x0;
	_ =	strace $0x90000047  }
0x7b: {  	s0 =	sadd.s32 @!p0 $0x100000, s0;
	[bflag:$0x2] =	sbarrier.arrive $0xFFFF  }
0x7c: {  	[sflag:s0] =	ssyncadd.tile.s32 @!p0 $0x1;
	_ =	shalt  }
.Lfunc_end2:
_tile_overlayer_lowered:
.L_overlay_start_2:
0x7d: {  	(tag) =	ssettag $0x2  }
0x7e: {  	s0 =	rddreg [dreg:$0x0];
	s2 =	stileid.u32  }
0x7f: {  	s1 =	rddreg [dreg:$0x1];
	p0 =	sne.s32 s2, $0x0  }
0x80: {  	s3 =	rddreg [dreg:$0x2];
	[bflag:$0x3] =	sbarrier.arrive $0xFFFF;
	s2 =	simm.s32 @!p0 $0x1C03  }
0x81: {  	[timem:s3], [sflag:s2] =	dma.local @!p0 [hbm:s0], s1  }
0x82: {  	s0 =	simm.s32 @!p0 $0x3  }
0x83: {  	_ =	swait.ge @!p0 [sflag:s0], s1  }
0x84: {  	s1 =	ssub.s32 @!p0 $0x0, s1;
	[sflag:s0] =	ssyncset.done @!p0 $0x0  }
0x85: {  	[sflag:s0] =	ssyncadd.s32 @!p0 s1  }
0x86: {  	[bflag:$0x3] =	sbarrier.arrive $0xFFFF  }
0x87: {  	_ =	shalt  }

</sc_bundles>
